<compile_context>
chip_gen: v7x
topology: tpu7x:2x2x1
jax: 0.10.2.dev20260603
libtpu: 0.0.44.dev20260713+nightly
codegen_flags: <defaults>
</compile_context>

<pallas_src>
import jax
import jax.numpy as jnp
from jax import lax
from jax.experimental import pallas as pl
from jax.experimental.pallas import tpu as pltpu
from jax.experimental.pallas import tpu_sc as plsc

_B = 4096
_DIM = 1024
_POOL = 100000

_BT = 4096
_PB = 1024
_NPB = -(-_POOL // _PB)


def _xnorm_body(x_ref, o_ref):
    x = x_ref[...]
    xn = x / (jnp.sqrt(jnp.sum(x * x, axis=1, keepdims=True)) + 1e-12)
    o_ref[...] = xn.astype(jnp.bfloat16)


def _xnorm_call(x):
    return pl.pallas_call(
        _xnorm_body,
        grid=(_B // _BT,),
        in_specs=[pl.BlockSpec((_BT, _DIM), lambda i: (i, 0))],
        out_specs=pl.BlockSpec((_BT, _DIM), lambda i: (i, 0)),
        out_shape=jax.ShapeDtypeStruct((_B, _DIM), jnp.bfloat16),
    )(x)


def _simargmax_body(xnb_ref, p_ref, idx_ref, mv_ref, ai_ref):
    j = pl.program_id(0)

    @pl.when(j == 0)
    def _():
        mv_ref[...] = jnp.full((_B, 1), -jnp.inf, jnp.float32)
        ai_ref[...] = jnp.zeros((_B, 1), jnp.int32)

    p = p_ref[...]
    pn = p / (jnp.sqrt(jnp.sum(p * p, axis=1, keepdims=True)) + 1e-12)
    s = lax.dot_general(xnb_ref[...], pn.astype(jnp.bfloat16),
                        (((1,), (1,)), ((), ())),
                        preferred_element_type=jnp.float32)
    lcols = lax.broadcasted_iota(jnp.int32, (_B, _PB), 1)

    def _update(sv):
        m = jnp.max(sv, axis=1, keepdims=True)
        amax = jnp.min(jnp.where(sv == m, lcols, jnp.int32(_PB)),
                       axis=1, keepdims=True) + j * _PB
        better = m > mv_ref[...]
        ai_ref[...] = jnp.where(better, amax, ai_ref[...])
        mv_ref[...] = jnp.where(better, m, mv_ref[...])

    @pl.when(j < _NPB - 1)
    def _():
        _update(s)

    @pl.when(j == _NPB - 1)
    def _():
        _update(jnp.where(lcols + j * _PB < _POOL, s, -jnp.inf))
        idx_ref[...] = ai_ref[...]


def _argmax_call(x, pool):
    xnb = _xnorm_call(x)
    return pl.pallas_call(
        _simargmax_body,
        grid=(_NPB,),
        in_specs=[pl.BlockSpec((_B, _DIM), lambda j: (0, 0)),
                  pl.BlockSpec((_PB, _DIM), lambda j: (j, 0))],
        out_specs=pl.BlockSpec((_B, 1), lambda j: (0, 0)),
        out_shape=jax.ShapeDtypeStruct((_B, 1), jnp.int32),
        scratch_shapes=[pltpu.VMEM((_B, 1), jnp.float32),
                        pltpu.VMEM((_B, 1), jnp.int32)],
        compiler_params=pltpu.CompilerParams(
            dimension_semantics=("arbitrary",),
            vmem_limit_bytes=100 * 1024 * 1024),
    )(xnb, pool)


_NC = 2
_NS = 16
_NW = _NC * _NS
_BPW = _B // _NW
_CH = 64
_NCH = _BPW // _CH


def _gather_body(pool_hbm, idx_hbm, out_hbm, idx_v, rows_v, sem):
    wid = lax.axis_index("s") * _NC + lax.axis_index("c")
    pltpu.sync_copy(idx_hbm.at[wid], idx_v)
    for c in range(_NCH):
        pltpu.async_copy(pool_hbm.at[idx_v.at[c]], rows_v, sem).wait()
        pltpu.sync_copy(rows_v, out_hbm.at[pl.ds(wid * _BPW + c * _CH, _CH)])


def _gather_call(pool, idx):
    mesh = plsc.VectorSubcoreMesh(core_axis_name="c", subcore_axis_name="s")
    kfn = pl.kernel(
        _gather_body,
        mesh=mesh,
        out_type=jax.ShapeDtypeStruct((_B, _DIM), jnp.float32),
        scratch_types=[pltpu.VMEM((_NCH, _CH), jnp.int32),
                       pltpu.VMEM((_CH, _DIM), jnp.float32),
                       pltpu.SemaphoreType.DMA],
    )
    return kfn(pool, idx.reshape(_NW, _NCH, _CH))


def _avg_body(x_ref, g_ref, o_ref):
    o_ref[...] = (x_ref[...] + g_ref[...]) * 0.5


def _avg_call(x, g):
    return pl.pallas_call(
        _avg_body,
        grid=(_B // _BT,),
        in_specs=[pl.BlockSpec((_BT, _DIM), lambda i: (i, 0)),
                  pl.BlockSpec((_BT, _DIM), lambda i: (i, 0))],
        out_specs=pl.BlockSpec((_BT, _DIM), lambda i: (i, 0)),
        out_shape=jax.ShapeDtypeStruct((_B, _DIM), jnp.float32),
    )(x, g)


def kernel(x, pool):
    idx = _argmax_call(x, pool)
    g = _gather_call(pool, idx)
    return _avg_call(x, g)

# --- scband reference (transcript-rebuilt; emitter-appended) ---
"""Pipeline reference for scband-pool-15118284882198 (READ-ONLY COPY).

The authoritative reference and input builder live on the scoring server;
editing this copy changes nothing except your own understanding.
"""

import jax, jax.numpy as jnp
import numpy as np

B = 4096
DIM = 1024
POOL_SIZE = 100000
TOPK = 1

def setup_inputs(seed: int = 0) -> dict:
    key = jax.random.key(seed)
    k1, k2 = jax.random.split(key)
    x = jax.random.normal(k1, (B, DIM), dtype=jnp.float32)
    # learned parameter: pool initialized like torch.rand (uniform [0,1))
    pool = jax.random.uniform(k2, (POOL_SIZE, DIM), dtype=jnp.float32)
    return {"x": x, "pool": pool}

def _cosine_similarity(pool, x):
    x_n = x / (jnp.linalg.norm(x, axis=-1, keepdims=True) + 1e-12)
    p_n = pool / (jnp.linalg.norm(pool, axis=-1, keepdims=True) + 1e-12)
    return x_n @ p_n.T  # [B, POOL_SIZE]

def reference(x, pool):
    # SimilarityCalculator(topk=1) with dis_func='Cos':
    similarity = _cosine_similarity(pool, x)
    values, indices = jax.lax.top_k(similarity, TOPK)  # [B, TOPK]
    # (the module also computes a CE loss(similarity, indices) but discards it;
    #  it does not affect the forward output, so it is omitted here)
    p = jnp.take(pool, indices, axis=0)  # [B, TOPK, DIM] gather
    xc = jnp.concatenate((x[:, None, :], p), axis=1)  # [B, TOPK+1, DIM]
    out = jnp.mean(xc, axis=1)  # [B, DIM]
    return out

if __name__ == "__main__":
    import jax
    _d = setup_inputs()
    print(jax.jit(kernel)(*tuple(_d.values())))

</pallas_src>

<mosaic_0001>
#map = affine_map<(d0, d1) -> (0, 0)>
#map1 = affine_map<(d0, d1) -> (0, 0, 0)>
module attributes {stable_mosaic.version = 14 : i64} {
  func.func @_gather_body(%arg0: i32, %arg1: i32, %arg2: memref<100000x1024xf32, #tpu.memory_space<hbm>>, %arg3: memref<32x2x64xi32, #tpu.memory_space<hbm>>, %arg4: memref<4096x1024xf32, #tpu.memory_space<hbm>>, %arg5: memref<2x64xi32, #tpu.memory_space<vmem>>, %arg6: memref<64x1024xf32, #tpu.memory_space<vmem>>, %arg7: memref<!tpu.dma_semaphore, #tpu.memory_space<semaphore_mem>>) attributes {dimension_semantics = [#tpu.dimension_semantics<core_parallel>, #tpu.dimension_semantics<subcore_parallel>], iteration_bounds = array<i64: 2, 16>, scalar_prefetch = 0 : i64, scratch_operands = 3 : i64, tpu.core_type = #tpu.core_type<sc_vector_subcore>, window_params = [{transform_indices = #map}, {transform_indices = #map1}, {transform_indices = #map}]} {
    %mul3A = arith.constant 2 : i32
    %mul3A_0 = arith.muli %arg1, %mul3A : i32
    %add3A = arith.addi %mul3A_0, %arg0 : i32
    "tpu.region"() ({
      %run_scoped3A = tpu.sem_alloc : memref<!tpu.dma_semaphore, #tpu.memory_space<semaphore_mem>>
      %dma_start3A_35 = arith.constant 0 : i32
      %dma_start3A_36 = arith.constant 0 : i32
      %dma_start3A_37 = tpu.memref_slice %arg3[%add3A, %dma_start3A_35, %dma_start3A_36] : memref<32x2x64xi32, #tpu.memory_space<hbm>> -> memref<1x2x64xi32, #tpu.memory_space<hbm>>
      %dma_start3A_38 = tpu.memref_squeeze %dma_start3A_37 : memref<1x2x64xi32, #tpu.memory_space<hbm>> -> memref<2x64xi32, #tpu.memory_space<hbm>>
      %dma_start3A_39 = arith.constant 0 : i32
      %dma_start3A_40 = arith.constant 0 : i32
      %dma_start3A_41 = tpu.memref_slice %arg3[%add3A, %dma_start3A_39, %dma_start3A_40] : memref<32x2x64xi32, #tpu.memory_space<hbm>> -> memref<1x2x64xi32, #tpu.memory_space<hbm>>
      %dma_start3A_42 = tpu.memref_squeeze %dma_start3A_41 : memref<1x2x64xi32, #tpu.memory_space<hbm>> -> memref<2x64xi32, #tpu.memory_space<hbm>>
      tpu.enqueue_dma source(%dma_start3A_42 : memref<2x64xi32, #tpu.memory_space<hbm>>) target(%arg5 : memref<2x64xi32, #tpu.memory_space<vmem>>) target_semaphore(%run_scoped3A : memref<!tpu.dma_semaphore, #tpu.memory_space<semaphore_mem>>)
      %dma_wait3A_43 = arith.constant 0 : i32
      %dma_wait3A_44 = arith.constant 0 : i32
      %dma_wait3A_45 = tpu.memref_slice %arg3[%add3A, %dma_wait3A_43, %dma_wait3A_44] : memref<32x2x64xi32, #tpu.memory_space<hbm>> -> memref<1x2x64xi32, #tpu.memory_space<hbm>>
      %dma_wait3A_46 = tpu.memref_squeeze %dma_wait3A_45 : memref<1x2x64xi32, #tpu.memory_space<hbm>> -> memref<2x64xi32, #tpu.memory_space<hbm>>
      %dma_wait3A_47 = arith.constant 0 : i32
      %dma_wait3A_48 = arith.constant 0 : i32
      %dma_wait3A_49 = tpu.memref_slice %arg3[%add3A, %dma_wait3A_47, %dma_wait3A_48] : memref<32x2x64xi32, #tpu.memory_space<hbm>> -> memref<1x2x64xi32, #tpu.memory_space<hbm>>
      %dma_wait3A_50 = tpu.memref_squeeze %dma_wait3A_49 : memref<1x2x64xi32, #tpu.memory_space<hbm>> -> memref<2x64xi32, #tpu.memory_space<hbm>>
      tpu.wait_dma2 semaphore(%run_scoped3A : memref<!tpu.dma_semaphore, #tpu.memory_space<semaphore_mem>>) src(%dma_wait3A_50 : memref<2x64xi32, #tpu.memory_space<hbm>>) dst(%arg5 : memref<2x64xi32, #tpu.memory_space<vmem>>)
      tpu.yield
    }) : () -> ()
    %dma_start3A = arith.constant 0 : i32
    %dma_start3A_1 = arith.constant 0 : i32
    %dma_start3A_2 = tpu.memref_slice %arg5[%dma_start3A, %dma_start3A_1] : memref<2x64xi32, #tpu.memory_space<vmem>> -> memref<1x64xi32, #tpu.memory_space<vmem>>
    %dma_start3A_3 = tpu.memref_squeeze %dma_start3A_2 : memref<1x64xi32, #tpu.memory_space<vmem>> -> memref<64xi32, #tpu.memory_space<vmem>>
    %dma_start3A_4 = arith.constant 0 : i32
    %dma_start3A_5 = arith.constant 0 : i32
    %dma_start3A_6 = tpu.memref_slice %arg2[%dma_start3A_4, %dma_start3A_5] : memref<100000x1024xf32, #tpu.memory_space<hbm>> -> memref<100000x1024xf32, #tpu.memory_space<hbm>>
    tpu.enqueue_indirect_dma source(%dma_start3A_6 : memref<100000x1024xf32, #tpu.memory_space<hbm>>) target(%arg6 : memref<64x1024xf32, #tpu.memory_space<vmem>>) offsets(%dma_start3A_3 : memref<64xi32, #tpu.memory_space<vmem>>) semaphore(%arg7 : memref<!tpu.dma_semaphore, #tpu.memory_space<semaphore_mem>>)
    %dma_wait3A = arith.constant 0 : i32
    %dma_wait3A_7 = arith.constant 0 : i32
    %dma_wait3A_8 = tpu.memref_slice %arg5[%dma_wait3A, %dma_wait3A_7] : memref<2x64xi32, #tpu.memory_space<vmem>> -> memref<1x64xi32, #tpu.memory_space<vmem>>
    %dma_wait3A_9 = tpu.memref_squeeze %dma_wait3A_8 : memref<1x64xi32, #tpu.memory_space<vmem>> -> memref<64xi32, #tpu.memory_space<vmem>>
    %dma_wait3A_10 = arith.constant 0 : i32
    %dma_wait3A_11 = arith.constant 0 : i32
    %dma_wait3A_12 = tpu.memref_slice %arg2[%dma_wait3A_10, %dma_wait3A_11] : memref<100000x1024xf32, #tpu.memory_space<hbm>> -> memref<100000x1024xf32, #tpu.memory_space<hbm>>
    tpu.wait_indirect_dma semaphore(%arg7 : memref<!tpu.dma_semaphore, #tpu.memory_space<semaphore_mem>>) src(%dma_wait3A_12 : memref<100000x1024xf32, #tpu.memory_space<hbm>>) dst(%arg6 : memref<64x1024xf32, #tpu.memory_space<vmem>>)
    %mul3A_13 = arith.constant 128 : i32
    %mul3A_14 = arith.muli %add3A, %mul3A_13 : i32
    %add3A_15 = arith.constant 0 : i32
    %add3A_16 = arith.addi %mul3A_14, %add3A_15 : i32
    "tpu.region"() ({
      %run_scoped3A = tpu.sem_alloc : memref<!tpu.dma_semaphore, #tpu.memory_space<semaphore_mem>>
      %dma_start3A_35 = arith.constant 0 : i32
      %dma_start3A_36 = tpu.memref_slice %arg4[%add3A_16, %dma_start3A_35] : memref<4096x1024xf32, #tpu.memory_space<hbm>> -> memref<64x1024xf32, #tpu.memory_space<hbm>>
      %dma_start3A_37 = arith.constant 0 : i32
      %dma_start3A_38 = tpu.memref_slice %arg4[%add3A_16, %dma_start3A_37] : memref<4096x1024xf32, #tpu.memory_space<hbm>> -> memref<64x1024xf32, #tpu.memory_space<hbm>>
      tpu.enqueue_dma source(%arg6 : memref<64x1024xf32, #tpu.memory_space<vmem>>) target(%dma_start3A_38 : memref<64x1024xf32, #tpu.memory_space<hbm>>) target_semaphore(%run_scoped3A : memref<!tpu.dma_semaphore, #tpu.memory_space<semaphore_mem>>)
      %dma_wait3A_39 = arith.constant 0 : i32
      %dma_wait3A_40 = tpu.memref_slice %arg4[%add3A_16, %dma_wait3A_39] : memref<4096x1024xf32, #tpu.memory_space<hbm>> -> memref<64x1024xf32, #tpu.memory_space<hbm>>
      %dma_wait3A_41 = arith.constant 0 : i32
      %dma_wait3A_42 = tpu.memref_slice %arg4[%add3A_16, %dma_wait3A_41] : memref<4096x1024xf32, #tpu.memory_space<hbm>> -> memref<64x1024xf32, #tpu.memory_space<hbm>>
      tpu.wait_dma2 semaphore(%run_scoped3A : memref<!tpu.dma_semaphore, #tpu.memory_space<semaphore_mem>>) src(%arg6 : memref<64x1024xf32, #tpu.memory_space<vmem>>) dst(%dma_wait3A_42 : memref<64x1024xf32, #tpu.memory_space<hbm>>)
      tpu.yield
    }) : () -> ()
    %dma_start3A_17 = arith.constant 1 : i32
    %dma_start3A_18 = arith.constant 0 : i32
    %dma_start3A_19 = tpu.memref_slice %arg5[%dma_start3A_17, %dma_start3A_18] : memref<2x64xi32, #tpu.memory_space<vmem>> -> memref<1x64xi32, #tpu.memory_space<vmem>>
    %dma_start3A_20 = tpu.memref_squeeze %dma_start3A_19 : memref<1x64xi32, #tpu.memory_space<vmem>> -> memref<64xi32, #tpu.memory_space<vmem>>
    %dma_start3A_21 = arith.constant 0 : i32
    %dma_start3A_22 = arith.constant 0 : i32
    %dma_start3A_23 = tpu.memref_slice %arg2[%dma_start3A_21, %dma_start3A_22] : memref<100000x1024xf32, #tpu.memory_space<hbm>> -> memref<100000x1024xf32, #tpu.memory_space<hbm>>
    tpu.enqueue_indirect_dma source(%dma_start3A_23 : memref<100000x1024xf32, #tpu.memory_space<hbm>>) target(%arg6 : memref<64x1024xf32, #tpu.memory_space<vmem>>) offsets(%dma_start3A_20 : memref<64xi32, #tpu.memory_space<vmem>>) semaphore(%arg7 : memref<!tpu.dma_semaphore, #tpu.memory_space<semaphore_mem>>)
    %dma_wait3A_24 = arith.constant 1 : i32
    %dma_wait3A_25 = arith.constant 0 : i32
    %dma_wait3A_26 = tpu.memref_slice %arg5[%dma_wait3A_24, %dma_wait3A_25] : memref<2x64xi32, #tpu.memory_space<vmem>> -> memref<1x64xi32, #tpu.memory_space<vmem>>
    %dma_wait3A_27 = tpu.memref_squeeze %dma_wait3A_26 : memref<1x64xi32, #tpu.memory_space<vmem>> -> memref<64xi32, #tpu.memory_space<vmem>>
    %dma_wait3A_28 = arith.constant 0 : i32
    %dma_wait3A_29 = arith.constant 0 : i32
    %dma_wait3A_30 = tpu.memref_slice %arg2[%dma_wait3A_28, %dma_wait3A_29] : memref<100000x1024xf32, #tpu.memory_space<hbm>> -> memref<100000x1024xf32, #tpu.memory_space<hbm>>
    tpu.wait_indirect_dma semaphore(%arg7 : memref<!tpu.dma_semaphore, #tpu.memory_space<semaphore_mem>>) src(%dma_wait3A_30 : memref<100000x1024xf32, #tpu.memory_space<hbm>>) dst(%arg6 : memref<64x1024xf32, #tpu.memory_space<vmem>>)
    %mul3A_31 = arith.constant 128 : i32
    %mul3A_32 = arith.muli %add3A, %mul3A_31 : i32
    %add3A_33 = arith.constant 64 : i32
    %add3A_34 = arith.addi %mul3A_32, %add3A_33 : i32
    "tpu.region"() ({
      %run_scoped3A = tpu.sem_alloc : memref<!tpu.dma_semaphore, #tpu.memory_space<semaphore_mem>>
      %dma_start3A_35 = arith.constant 0 : i32
      %dma_start3A_36 = tpu.memref_slice %arg4[%add3A_34, %dma_start3A_35] : memref<4096x1024xf32, #tpu.memory_space<hbm>> -> memref<64x1024xf32, #tpu.memory_space<hbm>>
      %dma_start3A_37 = arith.constant 0 : i32
      %dma_start3A_38 = tpu.memref_slice %arg4[%add3A_34, %dma_start3A_37] : memref<4096x1024xf32, #tpu.memory_space<hbm>> -> memref<64x1024xf32, #tpu.memory_space<hbm>>
      tpu.enqueue_dma source(%arg6 : memref<64x1024xf32, #tpu.memory_space<vmem>>) target(%dma_start3A_38 : memref<64x1024xf32, #tpu.memory_space<hbm>>) target_semaphore(%run_scoped3A : memref<!tpu.dma_semaphore, #tpu.memory_space<semaphore_mem>>)
      %dma_wait3A_39 = arith.constant 0 : i32
      %dma_wait3A_40 = tpu.memref_slice %arg4[%add3A_34, %dma_wait3A_39] : memref<4096x1024xf32, #tpu.memory_space<hbm>> -> memref<64x1024xf32, #tpu.memory_space<hbm>>
      %dma_wait3A_41 = arith.constant 0 : i32
      %dma_wait3A_42 = tpu.memref_slice %arg4[%add3A_34, %dma_wait3A_41] : memref<4096x1024xf32, #tpu.memory_space<hbm>> -> memref<64x1024xf32, #tpu.memory_space<hbm>>
      tpu.wait_dma2 semaphore(%run_scoped3A : memref<!tpu.dma_semaphore, #tpu.memory_space<semaphore_mem>>) src(%arg6 : memref<64x1024xf32, #tpu.memory_space<vmem>>) dst(%dma_wait3A_42 : memref<64x1024xf32, #tpu.memory_space<hbm>>)
      tpu.yield
    }) : () -> ()
    return
  }
}

module attributes {stable_mosaic.version = 14 : i64} {
  func.func @_xnorm_body(%arg0: i32, %arg1: memref<4096x1024xf32, #tpu.memory_space<vmem>>, %arg2: memref<4096x1024xbf16, #tpu.memory_space<vmem>>) attributes {dimension_semantics = [#tpu.dimension_semantics<arbitrary>], iteration_bounds = array<i64: 1>, scalar_prefetch = 0 : i64, scratch_operands = 0 : i64, tpu.core_type = #tpu.core_type<tc>, window_params = [{transform_indices = @transform_0, window_bounds = array<i64: 4096, 1024>}, {transform_indices = @transform_1, window_bounds = array<i64: 4096, 1024>}]} {
    %get3A = arith.constant 0 : index
    %get3A_0 = arith.constant 0 : index
    %get3A_1 = vector.load %arg1[%get3A, %get3A_0] : memref<4096x1024xf32, #tpu.memory_space<vmem>>, vector<4096x1024xf32>
    %mul3A = arith.mulf %get3A_1, %get3A_1 : vector<4096x1024xf32>
    %reduce_sum3A = arith.constant dense<0.000000e+00> : vector<4096xf32>
    %reduce_sum3A_2 = vector.multi_reduction <add>, %mul3A, %reduce_sum3A [1] : vector<4096x1024xf32> to vector<4096xf32>
    %broadcast_in_dim3A = vector.shape_cast %reduce_sum3A_2 : vector<4096xf32> to vector<4096x1xf32>
    %sqrt3A = math.sqrt %broadcast_in_dim3A : vector<4096x1xf32>
    %add3A = arith.constant 9.99999996E-13 : f32
    %add3A_3 = vector.broadcast %add3A : f32 to vector<4096x1xf32>
    %add3A_4 = arith.addf %sqrt3A, %add3A_3 : vector<4096x1xf32>
    %div3A = vector.broadcast %add3A_4 : vector<4096x1xf32> to vector<4096x1024xf32>
    %div3A_5 = arith.divf %get3A_1, %div3A : vector<4096x1024xf32>
    %convert_element_type3A = arith.truncf %div3A_5 : vector<4096x1024xf32> to vector<4096x1024xbf16>
    %swap3A = arith.constant 0 : index
    %swap3A_6 = arith.constant 0 : index
    %swap3A_7 = vector.load %arg2[%swap3A, %swap3A_6] : memref<4096x1024xbf16, #tpu.memory_space<vmem>>, vector<4096x1024xbf16>
    tpu.vector_store %arg2[%swap3A, %swap3A_6], %convert_element_type3A {strides = array<i32>} : memref<4096x1024xbf16, #tpu.memory_space<vmem>>, vector<4096x1024xbf16>,
    return
  }
  func.func @transform_0(%arg0: i32) -> (i32, i32) {
    %c0_i32 = arith.constant 0 : i32
    %c0_i32_0 = arith.constant 0 : i32
    return %arg0, %c0_i32 : i32, i32
  }
  func.func @transform_1(%arg0: i32) -> (i32, i32) {
    %c0_i32 = arith.constant 0 : i32
    %c0_i32_0 = arith.constant 0 : i32
    return %arg0, %c0_i32 : i32, i32
  }
}

module attributes {stable_mosaic.version = 14 : i64} {
  func.func @_avg_body(%arg0: i32, %arg1: memref<4096x1024xf32, #tpu.memory_space<vmem>>, %arg2: memref<4096x1024xf32, #tpu.memory_space<vmem>>, %arg3: memref<4096x1024xf32, #tpu.memory_space<vmem>>) attributes {dimension_semantics = [#tpu.dimension_semantics<arbitrary>], iteration_bounds = array<i64: 1>, scalar_prefetch = 0 : i64, scratch_operands = 0 : i64, tpu.core_type = #tpu.core_type<tc>, window_params = [{transform_indices = @transform_0, window_bounds = array<i64: 4096, 1024>}, {transform_indices = @transform_1, window_bounds = array<i64: 4096, 1024>}, {transform_indices = @transform_2, window_bounds = array<i64: 4096, 1024>}]} {
    %get3A = arith.constant 0 : index
    %get3A_0 = arith.constant 0 : index
    %get3A_1 = vector.load %arg1[%get3A, %get3A_0] : memref<4096x1024xf32, #tpu.memory_space<vmem>>, vector<4096x1024xf32>
    %get3A_2 = arith.constant 0 : index
    %get3A_3 = arith.constant 0 : index
    %get3A_4 = vector.load %arg2[%get3A_2, %get3A_3] : memref<4096x1024xf32, #tpu.memory_space<vmem>>, vector<4096x1024xf32>
    %add3A = arith.addf %get3A_1, %get3A_4 : vector<4096x1024xf32>
    %mul3A = arith.constant 5.000000e-01 : f32
    %mul3A_5 = vector.broadcast %mul3A : f32 to vector<4096x1024xf32>
    %mul3A_6 = arith.mulf %add3A, %mul3A_5 : vector<4096x1024xf32>
    %swap3A = arith.constant 0 : index
    %swap3A_7 = arith.constant 0 : index
    %swap3A_8 = vector.load %arg3[%swap3A, %swap3A_7] : memref<4096x1024xf32, #tpu.memory_space<vmem>>, vector<4096x1024xf32>
    tpu.vector_store %arg3[%swap3A, %swap3A_7], %mul3A_6 {strides = array<i32>} : memref<4096x1024xf32, #tpu.memory_space<vmem>>, vector<4096x1024xf32>,
    return
  }
  func.func @transform_0(%arg0: i32) -> (i32, i32) {
    %c0_i32 = arith.constant 0 : i32
    %c0_i32_0 = arith.constant 0 : i32
    return %arg0, %c0_i32 : i32, i32
  }
  func.func @transform_1(%arg0: i32) -> (i32, i32) {
    %c0_i32 = arith.constant 0 : i32
    %c0_i32_0 = arith.constant 0 : i32
    return %arg0, %c0_i32 : i32, i32
  }
  func.func @transform_2(%arg0: i32) -> (i32, i32) {
    %c0_i32 = arith.constant 0 : i32
    %c0_i32_0 = arith.constant 0 : i32
    return %arg0, %c0_i32 : i32, i32
  }
}

module attributes {stable_mosaic.version = 14 : i64} {
  func.func @_simargmax_body(%arg0: i32, %arg1: memref<4096x1024xbf16, #tpu.memory_space<vmem>>, %arg2: memref<1024x1024xf32, #tpu.memory_space<vmem>>, %arg3: memref<4096x1xi32, #tpu.memory_space<vmem>>, %arg4: memref<4096x1xf32, #tpu.memory_space<vmem>>, %arg5: memref<4096x1xi32, #tpu.memory_space<vmem>>) attributes {dimension_semantics = [#tpu.dimension_semantics<arbitrary>], iteration_bounds = array<i64: 98>, scalar_prefetch = 0 : i64, scratch_operands = 2 : i64, tpu.core_type = #tpu.core_type<tc>, window_params = [{pipeline_mode = #tpu.pipeline_mode<synchronous>, transform_indices = @transform_0, window_bounds = array<i64: 4096, 1024>}, {transform_indices = @transform_1, window_bounds = array<i64: 1024, 1024>}, {pipeline_mode = #tpu.pipeline_mode<synchronous>, transform_indices = @transform_2, window_bounds = array<i64: 4096, 1>}]} {
    %eq3A = arith.constant 0 : i32
    %eq3A_0 = arith.cmpi eq, %arg0, %eq3A : i32
    %convert_element_type3A = arith.extui %eq3A_0 : i1 to i32
    %cond3A = arith.constant 0 : i32
    %cond3A_1 = arith.cmpi ne, %convert_element_type3A, %cond3A : i32
    scf.if %cond3A_1 {
      %broadcast_in_dim3A_22 = arith.constant 0xFF800000 : f32
      %broadcast_in_dim3A_23 = vector.broadcast %broadcast_in_dim3A_22 : f32 to vector<4096x1xf32>
      %swap3A = arith.constant 0 : index
      %swap3A_24 = arith.constant 0 : index
      %swap3A_25 = vector.load %arg4[%swap3A, %swap3A_24] : memref<4096x1xf32, #tpu.memory_space<vmem>>, vector<4096x1xf32>
      tpu.vector_store %arg4[%swap3A, %swap3A_24], %broadcast_in_dim3A_23 {strides = array<i32>} : memref<4096x1xf32, #tpu.memory_space<vmem>>, vector<4096x1xf32>,
      %broadcast_in_dim3A_26 = arith.constant 0 : i32
      %broadcast_in_dim3A_27 = vector.broadcast %broadcast_in_dim3A_26 : i32 to vector<4096x1xi32>
      %swap3A_28 = arith.constant 0 : index
      %swap3A_29 = arith.constant 0 : index
      %swap3A_30 = vector.load %arg5[%swap3A_28, %swap3A_29] : memref<4096x1xi32, #tpu.memory_space<vmem>>, vector<4096x1xi32>
      tpu.vector_store %arg5[%swap3A_28, %swap3A_29], %broadcast_in_dim3A_27 {strides = array<i32>} : memref<4096x1xi32, #tpu.memory_space<vmem>>, vector<4096x1xi32>,
    } else {
    }
    %get3A = arith.constant 0 : index
    %get3A_2 = arith.constant 0 : index
    %get3A_3 = vector.load %arg2[%get3A, %get3A_2] : memref<1024x1024xf32, #tpu.memory_space<vmem>>, vector<1024x1024xf32>
    %mul3A = arith.mulf %get3A_3, %get3A_3 : vector<1024x1024xf32>
    %reduce_sum3A = arith.constant dense<0.000000e+00> : vector<1024xf32>
    %reduce_sum3A_4 = vector.multi_reduction <add>, %mul3A, %reduce_sum3A [1] : vector<1024x1024xf32> to vector<1024xf32>
    %broadcast_in_dim3A = vector.shape_cast %reduce_sum3A_4 : vector<1024xf32> to vector<1024x1xf32>
    %sqrt3A = math.sqrt %broadcast_in_dim3A : vector<1024x1xf32>
    %add3A = arith.constant 9.99999996E-13 : f32
    %add3A_5 = vector.broadcast %add3A : f32 to vector<1024x1xf32>
    %add3A_6 = arith.addf %sqrt3A, %add3A_5 : vector<1024x1xf32>
    %div3A = vector.broadcast %add3A_6 : vector<1024x1xf32> to vector<1024x1024xf32>
    %div3A_7 = arith.divf %get3A_3, %div3A : vector<1024x1024xf32>
    %get3A_8 = arith.constant 0 : index
    %get3A_9 = arith.constant 0 : index
    %get3A_10 = vector.load %arg1[%get3A_8, %get3A_9] : memref<4096x1024xbf16, #tpu.memory_space<vmem>>, vector<4096x1024xbf16>
    %convert_element_type3A_11 = arith.truncf %div3A_7 : vector<1024x1024xf32> to vector<1024x1024xbf16>
    %dot_general3A = arith.constant dense<0.000000e+00> : vector<4096x1024xf32>
    %dot_general3A_12 = tpu.matmul %get3A_10, %convert_element_type3A_11, %dot_general3A {dimension_numbers = #tpu.dot_dimension_numbers<[1], [1], [0], [0], [0, 0, 1, 0], [], []>, transpose_lhs_hint = false} : vector<4096x1024xbf16>, vector<1024x1024xbf16>, vector<4096x1024xf32> -> vector<4096x1024xf32>
    %iota3A = tpu.iota {dimensions = array<i32: 1>} : vector<4096x1024xi32>
    %lt3A = arith.constant 97 : i32
    %lt3A_13 = arith.cmpi slt, %arg0, %lt3A : i32
    %convert_element_type3A_14 = arith.extui %lt3A_13 : i1 to i32
    %cond3A_15 = arith.constant 0 : i32
    %cond3A_16 = arith.cmpi ne, %convert_element_type3A_14, %cond3A_15 : i32
    scf.if %cond3A_16 {
      %reduce_max3A = arith.constant dense<0xFF800000> : vector<4096xf32>
      %reduce_max3A_22 = vector.multi_reduction <maximumf>, %dot_general3A_12, %reduce_max3A [1] : vector<4096x1024xf32> to vector<4096xf32>
      %broadcast_in_dim3A_23 = vector.shape_cast %reduce_max3A_22 : vector<4096xf32> to vector<4096x1xf32>
      %eq3A_24 = vector.broadcast %broadcast_in_dim3A_23 : vector<4096x1xf32> to vector<4096x1024xf32>
      %eq3A_25 = arith.cmpf oeq, %dot_general3A_12, %eq3A_24 : vector<4096x1024xf32>
      %jit3A = arith.constant 1024 : i32
      %broadcast_in_dim3A_26 = vector.broadcast %jit3A : i32 to vector<4096x1024xi32>
      %select_n3A = arith.select %eq3A_25, %iota3A, %broadcast_in_dim3A_26 : vector<4096x1024xi1>, vector<4096x1024xi32>
      %reduce_min3A = arith.constant dense<2147483647> : vector<4096xi32>
      %reduce_min3A_27 = vector.multi_reduction <minsi>, %select_n3A, %reduce_min3A [1] : vector<4096x1024xi32> to vector<4096xi32>
      %broadcast_in_dim3A_28 = vector.shape_cast %reduce_min3A_27 : vector<4096xi32> to vector<4096x1xi32>
      %mul3A_29 = arith.constant 1024 : i32
      %mul3A_30 = arith.muli %arg0, %mul3A_29 : i32
      %add3A_31 = vector.broadcast %mul3A_30 : i32 to vector<4096x1xi32>
      %add3A_32 = arith.addi %broadcast_in_dim3A_28, %add3A_31 : vector<4096x1xi32>
      %get3A_33 = arith.constant 0 : index
      %get3A_34 = arith.constant 0 : index
      %get3A_35 = vector.load %arg4[%get3A_33, %get3A_34] : memref<4096x1xf32, #tpu.memory_space<vmem>>, vector<4096x1xf32>
      %gt3A = arith.cmpf ogt, %broadcast_in_dim3A_23, %get3A_35 : vector<4096x1xf32>
      %get3A_36 = arith.constant 0 : index
      %get3A_37 = arith.constant 0 : index
      %get3A_38 = vector.load %arg5[%get3A_36, %get3A_37] : memref<4096x1xi32, #tpu.memory_space<vmem>>, vector<4096x1xi32>
      %select_n3A_39 = arith.select %gt3A, %add3A_32, %get3A_38 : vector<4096x1xi1>, vector<4096x1xi32>
      %swap3A = arith.constant 0 : index
      %swap3A_40 = arith.constant 0 : index
      %swap3A_41 = vector.load %arg5[%swap3A, %swap3A_40] : memref<4096x1xi32, #tpu.memory_space<vmem>>, vector<4096x1xi32>
      tpu.vector_store %arg5[%swap3A, %swap3A_40], %select_n3A_39 {strides = array<i32>} : memref<4096x1xi32, #tpu.memory_space<vmem>>, vector<4096x1xi32>,
      %get3A_42 = arith.constant 0 : index
      %get3A_43 = arith.constant 0 : index
      %get3A_44 = vector.load %arg4[%get3A_42, %get3A_43] : memref<4096x1xf32, #tpu.memory_space<vmem>>, vector<4096x1xf32>
      %select_n3A_45 = arith.select %gt3A, %broadcast_in_dim3A_23, %get3A_44 : vector<4096x1xi1>, vector<4096x1xf32>
      %swap3A_46 = arith.constant 0 : index
      %swap3A_47 = arith.constant 0 : index
      %swap3A_48 = vector.load %arg4[%swap3A_46, %swap3A_47] : memref<4096x1xf32, #tpu.memory_space<vmem>>, vector<4096x1xf32>
      tpu.vector_store %arg4[%swap3A_46, %swap3A_47], %select_n3A_45 {strides = array<i32>} : memref<4096x1xf32, #tpu.memory_space<vmem>>, vector<4096x1xf32>,
    } else {
    }
    %eq3A_17 = arith.constant 97 : i32
    %eq3A_18 = arith.cmpi eq, %arg0, %eq3A_17 : i32
    %convert_element_type3A_19 = arith.extui %eq3A_18 : i1 to i32
    %cond3A_20 = arith.constant 0 : i32
    %cond3A_21 = arith.cmpi ne, %convert_element_type3A_19, %cond3A_20 : i32
    scf.if %cond3A_21 {
      %mul3A_22 = arith.constant 1024 : i32
      %mul3A_23 = arith.muli %arg0, %mul3A_22 : i32
      %add3A_24 = vector.broadcast %mul3A_23 : i32 to vector<4096x1024xi32>
      %add3A_25 = arith.addi %iota3A, %add3A_24 : vector<4096x1024xi32>
      %lt3A_26 = arith.constant 100000 : i32
      %lt3A_27 = vector.broadcast %lt3A_26 : i32 to vector<4096x1024xi32>
      %lt3A_28 = arith.cmpi slt, %add3A_25, %lt3A_27 : vector<4096x1024xi32>
      %jit3A = arith.constant 0xFF800000 : f32
      %broadcast_in_dim3A_29 = vector.broadcast %jit3A : f32 to vector<4096x1024xf32>
      %select_n3A = arith.select %lt3A_28, %dot_general3A_12, %broadcast_in_dim3A_29 : vector<4096x1024xi1>, vector<4096x1024xf32>
      %reduce_max3A = arith.constant dense<0xFF800000> : vector<4096xf32>
      %reduce_max3A_30 = vector.multi_reduction <maximumf>, %select_n3A, %reduce_max3A [1] : vector<4096x1024xf32> to vector<4096xf32>
      %broadcast_in_dim3A_31 = vector.shape_cast %reduce_max3A_30 : vector<4096xf32> to vector<4096x1xf32>
      %eq3A_32 = vector.broadcast %broadcast_in_dim3A_31 : vector<4096x1xf32> to vector<4096x1024xf32>
      %eq3A_33 = arith.cmpf oeq, %select_n3A, %eq3A_32 : vector<4096x1024xf32>
      %jit3A_34 = arith.constant 1024 : i32
      %broadcast_in_dim3A_35 = vector.broadcast %jit3A_34 : i32 to vector<4096x1024xi32>
      %select_n3A_36 = arith.select %eq3A_33, %iota3A, %broadcast_in_dim3A_35 : vector<4096x1024xi1>, vector<4096x1024xi32>
      %reduce_min3A = arith.constant dense<2147483647> : vector<4096xi32>
      %reduce_min3A_37 = vector.multi_reduction <minsi>, %select_n3A_36, %reduce_min3A [1] : vector<4096x1024xi32> to vector<4096xi32>
      %broadcast_in_dim3A_38 = vector.shape_cast %reduce_min3A_37 : vector<4096xi32> to vector<4096x1xi32>
      %mul3A_39 = arith.constant 1024 : i32
      %mul3A_40 = arith.muli %arg0, %mul3A_39 : i32
      %add3A_41 = vector.broadcast %mul3A_40 : i32 to vector<4096x1xi32>
      %add3A_42 = arith.addi %broadcast_in_dim3A_38, %add3A_41 : vector<4096x1xi32>
      %get3A_43 = arith.constant 0 : index
      %get3A_44 = arith.constant 0 : index
      %get3A_45 = vector.load %arg4[%get3A_43, %get3A_44] : memref<4096x1xf32, #tpu.memory_space<vmem>>, vector<4096x1xf32>
      %gt3A = arith.cmpf ogt, %broadcast_in_dim3A_31, %get3A_45 : vector<4096x1xf32>
      %get3A_46 = arith.constant 0 : index
      %get3A_47 = arith.constant 0 : index
      %get3A_48 = vector.load %arg5[%get3A_46, %get3A_47] : memref<4096x1xi32, #tpu.memory_space<vmem>>, vector<4096x1xi32>
      %select_n3A_49 = arith.select %gt3A, %add3A_42, %get3A_48 : vector<4096x1xi1>, vector<4096x1xi32>
      %swap3A = arith.constant 0 : index
      %swap3A_50 = arith.constant 0 : index
      %swap3A_51 = vector.load %arg5[%swap3A, %swap3A_50] : memref<4096x1xi32, #tpu.memory_space<vmem>>, vector<4096x1xi32>
      tpu.vector_store %arg5[%swap3A, %swap3A_50], %select_n3A_49 {strides = array<i32>} : memref<4096x1xi32, #tpu.memory_space<vmem>>, vector<4096x1xi32>,
      %get3A_52 = arith.constant 0 : index
      %get3A_53 = arith.constant 0 : index
      %get3A_54 = vector.load %arg4[%get3A_52, %get3A_53] : memref<4096x1xf32, #tpu.memory_space<vmem>>, vector<4096x1xf32>
      %select_n3A_55 = arith.select %gt3A, %broadcast_in_dim3A_31, %get3A_54 : vector<4096x1xi1>, vector<4096x1xf32>
      %swap3A_56 = arith.constant 0 : index
      %swap3A_57 = arith.constant 0 : index
      %swap3A_58 = vector.load %arg4[%swap3A_56, %swap3A_57] : memref<4096x1xf32, #tpu.memory_space<vmem>>, vector<4096x1xf32>
      tpu.vector_store %arg4[%swap3A_56, %swap3A_57], %select_n3A_55 {strides = array<i32>} : memref<4096x1xf32, #tpu.memory_space<vmem>>, vector<4096x1xf32>,
      %get3A_59 = arith.constant 0 : index
      %get3A_60 = arith.constant 0 : index
      %get3A_61 = vector.load %arg5[%get3A_59, %get3A_60] : memref<4096x1xi32, #tpu.memory_space<vmem>>, vector<4096x1xi32>
      %swap3A_62 = arith.constant 0 : index
      %swap3A_63 = arith.constant 0 : index
      %swap3A_64 = vector.load %arg3[%swap3A_62, %swap3A_63] : memref<4096x1xi32, #tpu.memory_space<vmem>>, vector<4096x1xi32>
      tpu.vector_store %arg3[%swap3A_62, %swap3A_63], %get3A_61 {strides = array<i32>} : memref<4096x1xi32, #tpu.memory_space<vmem>>, vector<4096x1xi32>,
    } else {
    }
    return
  }
  func.func @transform_0(%arg0: i32) -> (i32, i32) {
    %c0_i32 = arith.constant 0 : i32
    %c0_i32_0 = arith.constant 0 : i32
    %c0_i32_1 = arith.constant 0 : i32
    return %c0_i32, %c0_i32_0 : i32, i32
  }
  func.func @transform_1(%arg0: i32) -> (i32, i32) {
    %c0_i32 = arith.constant 0 : i32
    %c0_i32_0 = arith.constant 0 : i32
    return %arg0, %c0_i32 : i32, i32
  }
  func.func @transform_2(%arg0: i32) -> (i32, i32) {
    %c0_i32 = arith.constant 0 : i32
    %c0_i32_0 = arith.constant 0 : i32
    %c0_i32_1 = arith.constant 0 : i32
    return %c0_i32, %c0_i32_0 : i32, i32
  }
}

</mosaic_0001>

<sc_bundles>
// kernel: kernel.6.cloned.1.call-start
scs
__scs_entry_jumppad:
0x0: {  	(pc) =	sbr.rel $0x88, $3  }
0x1: {  	(tag) =	ssettag $0x0;
	lr =	simm.s32 $0x1  }
0x2: {  	[smem:$0x3F9F] =	sst lr;
	_ =	strace $0xD0000000  }
0x3: {  	_ = 	snop  }
0x4: {  	_ = 	snop  }
0x5: {  	_ = 	snop  }
0x6: {  	_ = 	snop  }
0x7: {  	_ = 	snop  }
__scs_overlays_trampoline_lowered:
0x8: {  	[smem:$0x3FAE] =	sst s0  }
0x9: {  	[smem:$0x3FAF] =	sst s1  }
0xa: {  	[smem:$0x3FB0] =	sst s2  }
0xb: {  	[smem:$0x3FB1] =	sst s3  }
0xc: {  	[smem:$0x3FB2] =	sst s4  }
0xd: {  	[smem:$0x3FB3] =	sst s5  }
0xe: {  	[smem:$0x3FB4] =	sst s6  }
0xf: {  	[smem:$0x3FB5] =	sst s7  }
0x10: {  	[smem:$0x3FB6] =	sst s8  }
0x11: {  	[smem:$0x3FB7] =	sst s9;
	s0 =	simm.s32 @!p0 $0x0  }
0x12: {  	s1 =	sld [smem:$0x3F9D];
	s0 =	simm.s32 @p0 $0x1  }
0x13: {  	[smem:$0x3FB8] =	sst s0;
	s0 =	simm.s32 @!p1 $0x0  }
0x14: {  	s2 =	sld [smem:$0x3F9C];
	s0 =	simm.s32 @p1 $0x1  }
0x15: {  	[smem:$0x3FB9] =	sst s0;
	s0 =	simm.s32 @!p2 $0x0  }
0x16: {  	s3 =	sld [smem:$0x3FDB];
	s0 =	simm.s32 @p2 $0x1  }
0x17: {  	s4 =	simm.s32 $0x1BF5;
	[smem:$0x3FBB] =	sst s0  }
0x18: {  	s0 =	sld [smem:$0x3F9E];
	_ =	swait.ge [sflag:s4], $0x0  }
0x19: {  	s7 =	sld [smem:$0x3F9F]  }
0x1a: {  	s8 =	sadd.s32 $0xFFFFE003, lr  }
0x1b: {  	s9 =	sadd.s32 $0xFFFFFEF7, lr;
	s5 =	simm.s32 $0xFFFFFFFF;
	p2 =	slt.u32 s8, $0xFFFFF086  }
0x1c: {  	p1 =	slt.u32 s9, $0xF7A;
	s5 =	simm.s32 @!p2 $0x0  }
0x1d: {  	s5 =	simm.s32 @p1 $0x1;
	p0 =	seq.s32 s7, s2  }
0x1e: {  	s7 =	smul.u32 @!p0 $0xF7A, s2;
	p2 =	seq.s32 @!p0 s5, $0x0  }
0x1f: {  	s9 =	smul.u32 $0xF7A, s1;
	s8 =	simm.s32 @!p0 $0x1BF5;
	p2 =	por !p2, p0  }
0x20: {  	[sflag:s8] =	ssyncset.s32 @!p0 $0xFFFFF086;
	s6 =	sadd.s32 @!p0 s3, s7;
	s7 =	simm.s32 @!p0 $0x108  }
0x21: {  	s3 =	sadd.s32 s3, s9;
	s6 =	sadd.s32 @!p0 $0x88, s6;
	s7 =	simm.s32 @p2 $0x1082  }
0x22: {  	[simem:s7], [sflag:s8] =	dma.local @!p0 [hbm:s6], $0xF7A  }
0x23: {  	s9 =	sor.u32 $0xD0000000, s2;
	s6 =	simm.s32 $0x108;
	_ =	swait.ge @!p0 [sflag:s8], $0x0  }
0x24: {  	s3 =	sadd.s32 $0x88, s3;
	s6 =	simm.s32 @!p1 $0x1082;
	[sflag:s4] =	ssyncset.s32 $0xFFFFF086  }
0x25: {  	[simem:s6], [sflag:s4] =	dma.local [hbm:s3], $0xF7A  }
0x26: {  	[smem:$0x3F9F] =	sst s1;
	(tag) =	ssettag s2;
	_ =	strace s9  }
0x27: {  	s1 =	sld [smem:$0x3FAF]  }
0x28: {  	s2 =	sld [smem:$0x3FB0]  }
0x29: {  	s4 =	sld [smem:$0x3FB2]  }
0x2a: {  	p0 =	seq.s32 s5, $0x0;
	s5 =	sld [smem:$0x3FB3]  }
0x2b: {  	s6 =	sld [smem:$0x3FB4]  }
0x2c: {  	s7 =	sld [smem:$0x3FB5]  }
0x2d: {  	s3 =	simm.s32 $0x108;
	s8 =	sld [smem:$0x3FB6]  }
0x2e: {  	s3 =	simm.s32 @!p0 $0x1082;
	s9 =	sld [smem:$0x3FB7]  }
0x2f: {  	lr =	sadd.s32 s0, s3;
	s0 =	sld [smem:$0x3FAE]  }
0x30: {  	s3 =	sld [smem:$0x3FB1]  }
0x31: {  	[smem:$0x3FBA] =	sst s10  }
0x32: {  	s10 =	sld [smem:$0x3FB8];
	_ =	sdelay $0x3  }
0x33: {  	p0 =	seq.s32 s10, $0x1;
	s10 =	sld [smem:$0x3FBA];
	_ =	sdelay $0x3  }
0x34: {  	[smem:$0x3FBA] =	sst s10  }
0x35: {  	s10 =	sld [smem:$0x3FB9];
	_ =	sdelay $0x3  }
0x36: {  	p1 =	seq.s32 s10, $0x1;
	s10 =	sld [smem:$0x3FBA];
	_ =	sdelay $0x3  }
0x37: {  	[smem:$0x3FBA] =	sst s10  }
0x38: {  	s10 =	sld [smem:$0x3FBB]  }
0x39: {  	_ = 	snop;
	(pc) =	sbr.ind lr, $3  }
0x3a: {  	_ = 	snop  }
0x3b: {  	_ = 	snop  }
0x3c: {  	p2 =	seq.s32 s10, $0x1;
	s10 =	sld [smem:$0x3FBA]  }
0x3d: {  	_ =	shalt  }
0x3e: {  	_ =	shalt  }
0x3f: {  	_ =	shalt  }
0x40: {  	_ =	shalt  }
0x41: {  	_ =	shalt  }
0x42: {  	_ =	shalt  }
0x43: {  	_ =	shalt  }
0x44: {  	_ =	shalt  }
0x45: {  	_ =	shalt  }
0x46: {  	_ =	shalt  }
0x47: {  	_ =	shalt  }
0x48: {  	_ =	shalt  }
0x49: {  	_ =	shalt  }
0x4a: {  	_ =	shalt  }
0x4b: {  	_ =	shalt  }
0x4c: {  	_ =	shalt  }
0x4d: {  	_ =	shalt  }
0x4e: {  	_ =	shalt  }
0x4f: {  	_ =	shalt  }
0x50: {  	_ =	shalt  }
0x51: {  	_ =	shalt  }
0x52: {  	_ =	shalt  }
0x53: {  	_ =	shalt  }
0x54: {  	_ =	shalt  }
0x55: {  	_ =	shalt  }
0x56: {  	_ =	shalt  }
0x57: {  	_ =	shalt  }
0x58: {  	_ =	shalt  }
0x59: {  	_ =	shalt  }
0x5a: {  	_ =	shalt  }
0x5b: {  	_ =	shalt  }
0x5c: {  	_ =	shalt  }
0x5d: {  	_ =	shalt  }
0x5e: {  	_ =	shalt  }
0x5f: {  	_ =	shalt  }
0x60: {  	_ =	shalt  }
0x61: {  	_ =	shalt  }
0x62: {  	_ =	shalt  }
0x63: {  	_ =	shalt  }
0x64: {  	_ =	shalt  }
0x65: {  	_ =	shalt  }
0x66: {  	_ =	shalt  }
0x67: {  	_ =	shalt  }
0x68: {  	_ =	shalt  }
0x69: {  	_ =	shalt  }
0x6a: {  	_ =	shalt  }
0x6b: {  	_ =	shalt  }
0x6c: {  	_ =	shalt  }
0x6d: {  	_ =	shalt  }
0x6e: {  	_ =	shalt  }
0x6f: {  	_ =	shalt  }
0x70: {  	_ =	shalt  }
0x71: {  	_ =	shalt  }
0x72: {  	_ =	shalt  }
0x73: {  	_ =	shalt  }
0x74: {  	_ =	shalt  }
0x75: {  	_ =	shalt  }
0x76: {  	_ =	shalt  }
0x77: {  	_ =	shalt  }
0x78: {  	_ =	shalt  }
0x79: {  	_ =	shalt  }
0x7a: {  	_ =	shalt  }
0x7b: {  	_ =	shalt  }
0x7c: {  	_ =	shalt  }
0x7d: {  	_ =	shalt  }
0x7e: {  	_ =	shalt  }
0x7f: {  	_ =	shalt  }
0x80: {  	_ =	shalt  }
0x81: {  	_ =	shalt  }
0x82: {  	_ =	shalt  }
0x83: {  	_ =	shalt  }
0x84: {  	_ =	shalt  }
0x85: {  	_ =	shalt  }
0x86: {  	_ =	shalt  }
0x87: {  	_ =	shalt  }
.Lfunc_end0:
.L_simem_size_0:
called_computation_lowered:
.L_overlay_start_0:
0x88: {  	s2 =	sld [smem:$0x3FD9]  }
0x89: {  	s3 =	sld [smem:$0x3FFE];
	_ =	sdelay $0x1  }
0x8a: {  	s1 =	srdreg.scid  }
0x8b: {  	s0 =	sand.u32 $0x1, s1  }
0x8c: {  	s17 =	sshll.u32 s0, $0xA;
	s2 =	sadd.s32 s3, s2  }
0x8d: {  	s2 =	sadd.s32 s2, s17  }
0x8e: {  	[smem:$0x3FC6] =	sst s2  }
0x8f: {  	_ = 	snop  }
0x90: {  	s2 =	sld [smem:$0x3FC8]  }
0x91: {  	s18 =	sld [smem:$0x3FD0];
	(tm) =	ssettm $0x1  }
0x92: {  	s4 =	sld [smem:$0x3FFB];
	_ =	sdelay $0x3  }
0x93: {  	_ =	strace s4  }
0x94: {  	s4 =	sld [smem:$0x3FFC];
	_ =	sdelay $0x3  }
0x95: {  	_ =	strace s4  }
0x96: {  	s4 =	sld [smem:$0x3FFD];
	_ =	sdelay $0x3  }
0x97: {  	_ =	strace s4  }
0x98: {  	_ =	strace $0x8FFFFFFF  }
0x99: {  	s19 =	sld [smem:$0x3FDB];
	_ =	sdelay $0x1  }
0x9a: {  	s5 =	simm.s32 $_scs_section_size  }
0x9b: {  	s6 =	simm.s32 $_size__tile_overlayer_lowered;
	s7 =	simm.s32 $_tile_overlayer_lowered  }
0x9c: {  	s22 =	simm.s32 $0x1BFF;
	s21 =	sshll.u32 s7, $0x1;
	s4 =	sadd.s32 s5, s19  }
0x9d: {  	s8 =	simm.s32 $0x0;
	s20 =	sshll.u32 s6, $0x1;
	s6 =	sadd.s32 s21, s4  }
0x9e: {  	[timem:s8], [sflag:s22] =	dma.local [hbm:s6], s20  }
0x9f: {  	_ =	swait.ge [sflag:s22], s20  }
0xa0: {  	s5 =	ssub.s32 $0x0, s20;
	[sflag:s22] =	ssyncset.done $0x0  }
0xa1: {  	[sflag:s22] =	ssyncadd.s32 s5;
	_ =	sdelay $0x1  }
0xa2: {  	s23 =	simm.s32 $0x1B8B  }
0xa3: {  	_ =	swait.ge [sflag:s23], $0x1  }
0xa4: {  	[sflag:s23] =	ssyncset.done $0x0  }
0xa5: {  	s25 =	simm.s32 $0x1B8E;
	s24 =	sld [smem:$0x3FFE];
	[sflag:s23] =	ssyncadd.s32 $0xFFFFFFFF  }
0xa6: {  	s26 =	simm.s32 $execute0_lowered;
	[smem:$0x3FD2] =	sst s25  }
0xa7: {  	s6 =	sshll.u32 s26, $0x1;
	_ =	strace $0x80000046;
	[dreg:$0x1] =	wrdreg $0xFFFFFFFF  }
0xa8: {  	s28 =	simm.s32 $_size_execute0_lowered;
	s4 =	sadd.s32 s4, s6;
	[dreg:$0x0] =	wrdreg $0x0  }
0xa9: {  	s6 =	sshll.u32 s28, $0x1;
	[dreg:$0x2] =	wrdreg s4  }
0xaa: {  	[dreg:$0x3] =	wrdreg s6  }
0xab: {  	[dreg:$0x4] =	wrdreg $0xC0  }
0xac: {  	_ =	task [dreg:s8], $0x5FFFF  }
0xad: {  	[dreg:$0x1] =	wrdreg $0xFFFFFFFF  }
0xae: {  	[dreg:$0x0] =	wrdreg $0x60  }
0xaf: {  	[dreg:$0x2] =	wrdreg s2  }
0xb0: {  	[dreg:$0x3] =	wrdreg s18  }
0xb1: {  	[dreg:$0x4] =	wrdreg s24  }
0xb2: {  	[dreg:$0x5] =	wrdreg $0x9  }
0xb3: {  	_ =	task.clear_ibuf [dreg:s8], $0x6FFFF;
	_ =	strace $0x90000046  }
0xb4: {  	s29 =	simm.s32 $0x9;
	_ =	strace $0x80000048  }
0xb5: {  	_ =	swait.ge [sflag:s29], $0x1  }
0xb6: {  	[sflag:s29] =	ssyncadd.s32 $0xFFFFFFFF  }
0xb7: {  	_ =	strace $0x90000048  }
0xb8: {  	_ =	sfence  }
0xb9: {  	s30 =	sld [smem:$0x0];
	_ =	sdelay $0x2  }
0xba: {  	s31 =	sshll.u32 s1, $0xD;
	s1 =	sshrl.u32 s1, $0x2  }
0xbb: {  	s3 =	sand.u32 $0x4000, s31;
	s1 =	sadd.s32 s1, s30  }
0xbc: {  	s0 =	sor.u32 s3, s0;
	s1 =	sshll.u32 s1, $0x11  }
0xbd: {  	s0 =	sor.u32 s1, s0  }
0xbe: {  	s0 =	sadd.s32 $0x8F2B, s0  }
0xbf: {  	[sflag:s0] =	ssyncadd.remote.s32 $0x1  }
0xc0: {  	_ =	sfence.sel $0xFFFF  }
0xc1: {  	[dreg:$0x0] =	wrdreg $0xFFFFFFFF;
	(pc) =	sbr.abs _section_cstart, $3  }
0xc2: {  	[dreg:$0x1] =	wrdreg $0xFFFFFFFF  }
0xc3: {  	_ =	task.clear_ibuf [dreg:s8], $0x2FFFF;
	_ =	strace $0x9FFFFFFF  }
0xc4: {  	(tm) =	ssettm $0x7FFFFFFF  }
0xc5: {  	_ =	shalt  }
tec
execute0_lowered:
.L_overlay_start_1:
0x0: {  	(tag) =	ssettag $0x1  }
0x1: {  	s1 =	rddreg [dreg:$0x0]  }
0x2: {  	s0 =	rddreg [dreg:$0x1]  }
0x3: {  	s2 =	rddreg [dreg:$0x2]  }
0x4: {  	s4 =	srdreg.scid;
	s5 =	stileid.u32  }
0x5: {  	s3 =	simm.s32 $0x0;
	s8 =	simm.s32 $0x2;
	s18 =	simm.s32 $0x1  }
0x6: {  	s20 =	simm.s32 $0x900;
	s21 =	simm.s32 $0x1100;
	s22 =	simm.s32 $0x1900  }
0x7: {  	s23 =	simm.s32 $0x2100;
	s24 =	simm.s32 $0x2900;
	s28 =	simm.s32 $0x4100  }
0x8: {  	s29 =	simm.s32 $0x4900;
	s30 =	simm.s32 $0x5100;
	s31 =	simm.s32 $0x5900  }
0x9: {  	s10 =	simm.s32 $0x7100;
	s11 =	simm.s32 $0x7900;
	s12 =	simm.s32 $0x8100  }
0xa: {  	s13 =	simm.s32 $0x8900;
	s14 =	simm.s32 $0x9100;
	s15 =	simm.s32 $0x9900  }
0xb: {  	s16 =	simm.s32 $0xA100;
	s17 =	simm.s32 $0xA900;
	s9 =	simm.s32 $0xB100  }
0xc: {  	s4 =	sand.u32 $0x1, s4;
	s5 =	sshll.u32 s5, $0x1;
	[smem:$0x7FF] =	sst s3  }
0xd: {  	s5 =	sor.u32 s4, s5;
	_ =	strace $0x80000047;
	s4 =	ssub.s32 $0x2, s4  }
0xe: {  	s6 =	sshll.u32 s5, $0x5;
	s5 =	sshll.u32 s5, $0xE;
	s7 =	sshrl.u32 s4, $0x1  }
0xf: {  	s0 =	sadd.s32 s0, s6;
	s2 =	sadd.s32 s5, s2;
	s7 =	ssub.s32 s4, s7  }
0x10: {  	s4 =	sadd.s32 $0x100, s1;
	s5 =	sadd.s32 $0x200, s1;
	s6 =	sadd.s32 $0x300, s1  }
0x11: {  	v2 =	vlaneseq.u32;
	[dreg:$0x4] =	wrdreg s0;
	s25 =	sadd.s32 $0x400, s2;
	s26 =	sadd.s32 $0x2400, s2  }
0x12: {  	vm0 =	vmmov $0xffff;
	v1 =	vshrl.u32 v2, $0x3;
	s7 =	smax.u32 s7, $0x1;
	s0 =	simm.s32 $0x100;
	[dreg:$0x5] =	wrdreg s25  }
0x13: {  	v0 =	vand.u32 $0x7, v2;
	v2 =	vor.u32 $0x8, v2;
	v1 =	vmul.u32 $0x8, v1;
	[dreg:$0x6] =	wrdreg s26;
	s25 =	simm.s32 $0x3100;
	s26 =	simm.s32 $0x3900  }
.LBB2_1:
0x14: {  	s19 =	rddreg [dreg:$0x4]  }
0x15: {  	[tilespmem:s3], [sflag:$0x2] =	stream.linear.gather [hbm4b:s19+s3], $0x100, $0x38;
	[tilespmem:$0x10100] =	vst v63  }
0x16: {  	_ =	swait.ge [sflag:s8], $0x100  }
0x17: {  	[sflag:s8] =	ssyncset.done $0x0  }
0x18: {  	[sflag:s8] =	ssyncadd.s32 $0xFFFFFF00  }
0x19: {  	v3 =	vld [tilespmem:$0x0];
	_ =	sdelay $0x4  }
0x1a: {  	v4 =	vshll.u32 v3, $0x3  }
0x1b: {  	v3 =	vand.u32 $0x7, v3;
	v4 =	vand.u32 $0xFFFFFFC0, v4  }
0x1c: {  	v3 =	vor.u32 v3, v4  }
0x1d: {  	v4 =	vperm.xlane v3, v0;
	_ =	sdelay $0x1  }
0x1e: {  	v4 =	vadd.s32 v1, v4;
	_ =	sdelay $0x4  }
0x1f: {  	[tilespmem:s0], [sflag:$0x1] =	stream.indirect_vreg.gather [hbm4b:s1+s3], $0x80, v4, vm0, $0xb8;
	[tilespmem:$0x10100] =	vst v63  }
0x20: {  	v3 =	vperm.xlane v3, v2  }
0x21: {  	[tilespmem:s20], [sflag:$0x1] =	stream.indirect_vreg.gather [hbm4b:s4+s3], $0x80, v4, vm0, $0xb8;
	[tilespmem:$0x10100] =	vst v63  }
0x22: {  	v3 =	vadd.s32 v1, v3  }
0x23: {  	[tilespmem:s21], [sflag:$0x1] =	stream.indirect_vreg.gather [hbm4b:s5+s3], $0x80, v4, vm0, $0xb8;
	[tilespmem:$0x10100] =	vst v63  }
0x24: {  	_ = 	snop  }
0x25: {  	[tilespmem:s22], [sflag:$0x1] =	stream.indirect_vreg.gather [hbm4b:s6+s3], $0x80, v4, vm0, $0xb8;
	[tilespmem:$0x10100] =	vst v63  }
0x26: {  	_ = 	snop  }
0x27: {  	[tilespmem:s23], [sflag:$0x1] =	stream.indirect_vreg.gather [hbm4b:s1+s3], $0x80, v3, vm0, $0xb8;
	[tilespmem:$0x10100] =	vst v63  }
0x28: {  	_ = 	snop  }
0x29: {  	[tilespmem:s24], [sflag:$0x1] =	stream.indirect_vreg.gather [hbm4b:s4+s3], $0x80, v3, vm0, $0xb8;
	[tilespmem:$0x10100] =	vst v63  }
0x2a: {  	_ = 	snop  }
0x2b: {  	[tilespmem:s25], [sflag:$0x1] =	stream.indirect_vreg.gather [hbm4b:s5+s3], $0x80, v3, vm0, $0xb8;
	[tilespmem:$0x10100] =	vst v63  }
0x2c: {  	_ = 	snop  }
0x2d: {  	[tilespmem:s26], [sflag:$0x1] =	stream.indirect_vreg.gather [hbm4b:s6+s3], $0x80, v3, vm0, $0xb8;
	[tilespmem:$0x10100] =	vst v63  }
0x2e: {  	v3 =	vld [tilespmem:$0x10];
	_ =	sdelay $0x4  }
0x2f: {  	v57 =	vshll.u32 v3, $0x3  }
0x30: {  	v3 =	vand.u32 $0x7, v3;
	v4 =	vand.u32 $0xFFFFFFC0, v57  }
0x31: {  	v3 =	vor.u32 v3, v4  }
0x32: {  	v4 =	vperm.xlane v3, v0;
	_ =	sdelay $0x1  }
0x33: {  	v4 =	vadd.s32 v1, v4;
	_ =	sdelay $0x4  }
0x34: {  	[tilespmem:s28], [sflag:$0x1] =	stream.indirect_vreg.gather [hbm4b:s1+s3], $0x80, v4, vm0, $0xb8;
	[tilespmem:$0x10100] =	vst v63  }
0x35: {  	v3 =	vperm.xlane v3, v2  }
0x36: {  	[tilespmem:s29], [sflag:$0x1] =	stream.indirect_vreg.gather [hbm4b:s4+s3], $0x80, v4, vm0, $0xb8;
	[tilespmem:$0x10100] =	vst v63  }
0x37: {  	v3 =	vadd.s32 v1, v3  }
0x38: {  	[tilespmem:s30], [sflag:$0x1] =	stream.indirect_vreg.gather [hbm4b:s5+s3], $0x80, v4, vm0, $0xb8;
	[tilespmem:$0x10100] =	vst v63  }
0x39: {  	_ = 	snop  }
0x3a: {  	[tilespmem:s31], [sflag:$0x1] =	stream.indirect_vreg.gather [hbm4b:s6+s3], $0x80, v4, vm0, $0xb8;
	[tilespmem:$0x10100] =	vst v63  }
0x3b: {  	s2 =	simm.s32 $0x6100  }
0x3c: {  	[tilespmem:s2], [sflag:$0x1] =	stream.indirect_vreg.gather [hbm4b:s1+s3], $0x80, v3, vm0, $0xb8;
	[tilespmem:$0x10100] =	vst v63  }
0x3d: {  	s2 =	simm.s32 $0x6900  }
0x3e: {  	[tilespmem:s2], [sflag:$0x1] =	stream.indirect_vreg.gather [hbm4b:s4+s3], $0x80, v3, vm0, $0xb8;
	[tilespmem:$0x10100] =	vst v63  }
0x3f: {  	_ = 	snop  }
0x40: {  	[tilespmem:s10], [sflag:$0x1] =	stream.indirect_vreg.gather [hbm4b:s5+s3], $0x80, v3, vm0, $0xb8;
	[tilespmem:$0x10100] =	vst v63  }
0x41: {  	_ = 	snop  }
0x42: {  	[tilespmem:s11], [sflag:$0x1] =	stream.indirect_vreg.gather [hbm4b:s6+s3], $0x80, v3, vm0, $0xb8;
	[tilespmem:$0x10100] =	vst v63  }
0x43: {  	v3 =	vld [tilespmem:$0x20];
	_ =	sdelay $0x4  }
0x44: {  	v58 =	vshll.u32 v3, $0x3  }
0x45: {  	v3 =	vand.u32 $0x7, v3;
	v4 =	vand.u32 $0xFFFFFFC0, v58  }
0x46: {  	v3 =	vor.u32 v3, v4  }
0x47: {  	v4 =	vperm.xlane v3, v0;
	_ =	sdelay $0x1  }
0x48: {  	v4 =	vadd.s32 v1, v4;
	_ =	sdelay $0x4  }
0x49: {  	[tilespmem:s12], [sflag:$0x1] =	stream.indirect_vreg.gather [hbm4b:s1+s3], $0x80, v4, vm0, $0xb8;
	[tilespmem:$0x10100] =	vst v63  }
0x4a: {  	v3 =	vperm.xlane v3, v2  }
0x4b: {  	[tilespmem:s13], [sflag:$0x1] =	stream.indirect_vreg.gather [hbm4b:s4+s3], $0x80, v4, vm0, $0xb8;
	[tilespmem:$0x10100] =	vst v63  }
0x4c: {  	v3 =	vadd.s32 v1, v3  }
0x4d: {  	[tilespmem:s14], [sflag:$0x1] =	stream.indirect_vreg.gather [hbm4b:s5+s3], $0x80, v4, vm0, $0xb8;
	[tilespmem:$0x10100] =	vst v63  }
0x4e: {  	_ = 	snop  }
0x4f: {  	[tilespmem:s15], [sflag:$0x1] =	stream.indirect_vreg.gather [hbm4b:s6+s3], $0x80, v4, vm0, $0xb8;
	[tilespmem:$0x10100] =	vst v63  }
0x50: {  	_ = 	snop  }
0x51: {  	[tilespmem:s16], [sflag:$0x1] =	stream.indirect_vreg.gather [hbm4b:s1+s3], $0x80, v3, vm0, $0xb8;
	[tilespmem:$0x10100] =	vst v63  }
0x52: {  	_ = 	snop  }
0x53: {  	[tilespmem:s17], [sflag:$0x1] =	stream.indirect_vreg.gather [hbm4b:s4+s3], $0x80, v3, vm0, $0xb8;
	[tilespmem:$0x10100] =	vst v63  }
0x54: {  	_ = 	snop  }
0x55: {  	[tilespmem:s9], [sflag:$0x1] =	stream.indirect_vreg.gather [hbm4b:s5+s3], $0x80, v3, vm0, $0xb8;
	[tilespmem:$0x10100] =	vst v63  }
0x56: {  	s19 =	simm.s32 $0xB900  }
0x57: {  	[tilespmem:s19], [sflag:$0x1] =	stream.indirect_vreg.gather [hbm4b:s6+s3], $0x80, v3, vm0, $0xb8;
	[tilespmem:$0x10100] =	vst v63  }
0x58: {  	v3 =	vld [tilespmem:$0x30];
	_ =	sdelay $0x4  }
0x59: {  	v59 =	vshll.u32 v3, $0x3  }
0x5a: {  	v3 =	vand.u32 $0x7, v3;
	v4 =	vand.u32 $0xFFFFFFC0, v59  }
0x5b: {  	v3 =	vor.u32 v3, v4  }
0x5c: {  	v4 =	vperm.xlane v3, v0;
	_ =	sdelay $0x1  }
0x5d: {  	v4 =	vadd.s32 v1, v4;
	_ =	sdelay $0x3  }
0x5e: {  	s19 =	simm.s32 $0xC100  }
0x5f: {  	[tilespmem:s19], [sflag:$0x1] =	stream.indirect_vreg.gather [hbm4b:s1+s3], $0x80, v4, vm0, $0xb8;
	[tilespmem:$0x10100] =	vst v63  }
0x60: {  	v3 =	vperm.xlane v3, v2;
	s19 =	simm.s32 $0xC900  }
0x61: {  	[tilespmem:s19], [sflag:$0x1] =	stream.indirect_vreg.gather [hbm4b:s4+s3], $0x80, v4, vm0, $0xb8;
	[tilespmem:$0x10100] =	vst v63  }
0x62: {  	v3 =	vadd.s32 v1, v3;
	s19 =	simm.s32 $0xD100  }
0x63: {  	[tilespmem:s19], [sflag:$0x1] =	stream.indirect_vreg.gather [hbm4b:s5+s3], $0x80, v4, vm0, $0xb8;
	[tilespmem:$0x10100] =	vst v63  }
0x64: {  	s19 =	simm.s32 $0xD900  }
0x65: {  	[tilespmem:s19], [sflag:$0x1] =	stream.indirect_vreg.gather [hbm4b:s6+s3], $0x80, v4, vm0, $0xb8;
	[tilespmem:$0x10100] =	vst v63  }
0x66: {  	s19 =	simm.s32 $0xE100  }
0x67: {  	[tilespmem:s19], [sflag:$0x1] =	stream.indirect_vreg.gather [hbm4b:s1+s3], $0x80, v3, vm0, $0xb8;
	[tilespmem:$0x10100] =	vst v63  }
0x68: {  	s19 =	simm.s32 $0xE900  }
0x69: {  	[tilespmem:s19], [sflag:$0x1] =	stream.indirect_vreg.gather [hbm4b:s4+s3], $0x80, v3, vm0, $0xb8;
	[tilespmem:$0x10100] =	vst v63  }
0x6a: {  	s19 =	simm.s32 $0xF100  }
0x6b: {  	[tilespmem:s19], [sflag:$0x1] =	stream.indirect_vreg.gather [hbm4b:s5+s3], $0x80, v3, vm0, $0xb8;
	[tilespmem:$0x10100] =	vst v63  }
0x6c: {  	s19 =	simm.s32 $0xF900  }
0x6d: {  	[tilespmem:s19], [sflag:$0x1] =	stream.indirect_vreg.gather [hbm4b:s6+s3], $0x80, v3, vm0, $0xb8;
	[tilespmem:$0x10100] =	vst v63  }
0x6e: {  	_ =	swait.ge [sflag:s18], $0x10000  }
0x6f: {  	[sflag:s18] =	ssyncset.done $0x0  }
0x70: {  	s19 =	rddreg [dreg:$0x5];
	[sflag:s18] =	ssyncadd.s32 $0xFFFF0000  }
0x71: {  	[hbm4b:s19+s3] =	stream.linear.scatter [tilespmem:s0], [sflag:$0x2], $0x10000, $0x38;
	[tilespmem:$0x10100] =	vst v63  }
0x72: {  	_ =	swait.ge [sflag:s8], $0x10000  }
0x73: {  	[sflag:s8] =	ssyncset.done $0x0  }
0x74: {  	[sflag:s8] =	ssyncadd.s32 $0xFFFF0000  }
0x75: {  	v3 =	vld [tilespmem:$0x80];
	_ =	sdelay $0x4  }
0x76: {  	v60 =	vshll.u32 v3, $0x3  }
0x77: {  	v3 =	vand.u32 $0x7, v3;
	v4 =	vand.u32 $0xFFFFFFC0, v60  }
0x78: {  	v3 =	vor.u32 v3, v4  }
0x79: {  	v4 =	vperm.xlane v3, v0;
	_ =	sdelay $0x1  }
0x7a: {  	v4 =	vadd.s32 v1, v4;
	_ =	sdelay $0x4  }
0x7b: {  	[tilespmem:s0], [sflag:$0x1] =	stream.indirect_vreg.gather [hbm4b:s1+s3], $0x80, v4, vm0, $0xb8;
	[tilespmem:$0x10100] =	vst v63  }
0x7c: {  	v3 =	vperm.xlane v3, v2  }
0x7d: {  	[tilespmem:s20], [sflag:$0x1] =	stream.indirect_vreg.gather [hbm4b:s4+s3], $0x80, v4, vm0, $0xb8;
	[tilespmem:$0x10100] =	vst v63  }
0x7e: {  	v3 =	vadd.s32 v1, v3  }
0x7f: {  	[tilespmem:s21], [sflag:$0x1] =	stream.indirect_vreg.gather [hbm4b:s5+s3], $0x80, v4, vm0, $0xb8;
	[tilespmem:$0x10100] =	vst v63  }
0x80: {  	_ = 	snop  }
0x81: {  	[tilespmem:s22], [sflag:$0x1] =	stream.indirect_vreg.gather [hbm4b:s6+s3], $0x80, v4, vm0, $0xb8;
	[tilespmem:$0x10100] =	vst v63  }
0x82: {  	_ = 	snop  }
0x83: {  	[tilespmem:s23], [sflag:$0x1] =	stream.indirect_vreg.gather [hbm4b:s1+s3], $0x80, v3, vm0, $0xb8;
	[tilespmem:$0x10100] =	vst v63  }
0x84: {  	_ = 	snop  }
0x85: {  	[tilespmem:s24], [sflag:$0x1] =	stream.indirect_vreg.gather [hbm4b:s4+s3], $0x80, v3, vm0, $0xb8;
	[tilespmem:$0x10100] =	vst v63  }
0x86: {  	_ = 	snop  }
0x87: {  	[tilespmem:s25], [sflag:$0x1] =	stream.indirect_vreg.gather [hbm4b:s5+s3], $0x80, v3, vm0, $0xb8;
	[tilespmem:$0x10100] =	vst v63  }
0x88: {  	_ = 	snop  }
0x89: {  	[tilespmem:s26], [sflag:$0x1] =	stream.indirect_vreg.gather [hbm4b:s6+s3], $0x80, v3, vm0, $0xb8;
	[tilespmem:$0x10100] =	vst v63  }
0x8a: {  	v3 =	vld [tilespmem:$0x90];
	_ =	sdelay $0x4  }
0x8b: {  	v61 =	vshll.u32 v3, $0x3  }
0x8c: {  	v3 =	vand.u32 $0x7, v3;
	v4 =	vand.u32 $0xFFFFFFC0, v61  }
0x8d: {  	v3 =	vor.u32 v3, v4  }
0x8e: {  	v4 =	vperm.xlane v3, v0;
	_ =	sdelay $0x1  }
0x8f: {  	v4 =	vadd.s32 v1, v4;
	_ =	sdelay $0x4  }
0x90: {  	[tilespmem:s28], [sflag:$0x1] =	stream.indirect_vreg.gather [hbm4b:s1+s3], $0x80, v4, vm0, $0xb8;
	[tilespmem:$0x10100] =	vst v63  }
0x91: {  	v3 =	vperm.xlane v3, v2  }
0x92: {  	[tilespmem:s29], [sflag:$0x1] =	stream.indirect_vreg.gather [hbm4b:s4+s3], $0x80, v4, vm0, $0xb8;
	[tilespmem:$0x10100] =	vst v63  }
0x93: {  	v3 =	vadd.s32 v1, v3  }
0x94: {  	[tilespmem:s30], [sflag:$0x1] =	stream.indirect_vreg.gather [hbm4b:s5+s3], $0x80, v4, vm0, $0xb8;
	[tilespmem:$0x10100] =	vst v63  }
0x95: {  	_ = 	snop  }
0x96: {  	[tilespmem:s31], [sflag:$0x1] =	stream.indirect_vreg.gather [hbm4b:s6+s3], $0x80, v4, vm0, $0xb8;
	[tilespmem:$0x10100] =	vst v63  }
0x97: {  	s19 =	simm.s32 $0x6100  }
0x98: {  	[tilespmem:s19], [sflag:$0x1] =	stream.indirect_vreg.gather [hbm4b:s1+s3], $0x80, v3, vm0, $0xb8;
	[tilespmem:$0x10100] =	vst v63  }
0x99: {  	_ = 	snop  }
0x9a: {  	[tilespmem:s2], [sflag:$0x1] =	stream.indirect_vreg.gather [hbm4b:s4+s3], $0x80, v3, vm0, $0xb8;
	[tilespmem:$0x10100] =	vst v63  }
0x9b: {  	_ = 	snop  }
0x9c: {  	[tilespmem:s10], [sflag:$0x1] =	stream.indirect_vreg.gather [hbm4b:s5+s3], $0x80, v3, vm0, $0xb8;
	[tilespmem:$0x10100] =	vst v63  }
0x9d: {  	_ = 	snop  }
0x9e: {  	[tilespmem:s11], [sflag:$0x1] =	stream.indirect_vreg.gather [hbm4b:s6+s3], $0x80, v3, vm0, $0xb8;
	[tilespmem:$0x10100] =	vst v63  }
0x9f: {  	v3 =	vld [tilespmem:$0xA0];
	_ =	sdelay $0x4  }
0xa0: {  	v62 =	vshll.u32 v3, $0x3  }
0xa1: {  	v3 =	vand.u32 $0x7, v3;
	v4 =	vand.u32 $0xFFFFFFC0, v62  }
0xa2: {  	v3 =	vor.u32 v3, v4  }
0xa3: {  	v4 =	vperm.xlane v3, v0;
	_ =	sdelay $0x1  }
0xa4: {  	v4 =	vadd.s32 v1, v4;
	_ =	sdelay $0x4  }
0xa5: {  	[tilespmem:s12], [sflag:$0x1] =	stream.indirect_vreg.gather [hbm4b:s1+s3], $0x80, v4, vm0, $0xb8;
	[tilespmem:$0x10100] =	vst v63  }
0xa6: {  	v3 =	vperm.xlane v3, v2  }
0xa7: {  	[tilespmem:s13], [sflag:$0x1] =	stream.indirect_vreg.gather [hbm4b:s4+s3], $0x80, v4, vm0, $0xb8;
	[tilespmem:$0x10100] =	vst v63  }
0xa8: {  	v3 =	vadd.s32 v1, v3  }
0xa9: {  	[tilespmem:s14], [sflag:$0x1] =	stream.indirect_vreg.gather [hbm4b:s5+s3], $0x80, v4, vm0, $0xb8;
	[tilespmem:$0x10100] =	vst v63  }
0xaa: {  	_ = 	snop  }
0xab: {  	[tilespmem:s15], [sflag:$0x1] =	stream.indirect_vreg.gather [hbm4b:s6+s3], $0x80, v4, vm0, $0xb8;
	[tilespmem:$0x10100] =	vst v63  }
0xac: {  	_ = 	snop  }
0xad: {  	[tilespmem:s16], [sflag:$0x1] =	stream.indirect_vreg.gather [hbm4b:s1+s3], $0x80, v3, vm0, $0xb8;
	[tilespmem:$0x10100] =	vst v63  }
0xae: {  	_ = 	snop  }
0xaf: {  	[tilespmem:s17], [sflag:$0x1] =	stream.indirect_vreg.gather [hbm4b:s4+s3], $0x80, v3, vm0, $0xb8;
	[tilespmem:$0x10100] =	vst v63  }
0xb0: {  	_ = 	snop  }
0xb1: {  	[tilespmem:s9], [sflag:$0x1] =	stream.indirect_vreg.gather [hbm4b:s5+s3], $0x80, v3, vm0, $0xb8;
	[tilespmem:$0x10100] =	vst v63  }
0xb2: {  	s19 =	simm.s32 $0xB900  }
0xb3: {  	[tilespmem:s19], [sflag:$0x1] =	stream.indirect_vreg.gather [hbm4b:s6+s3], $0x80, v3, vm0, $0xb8;
	[tilespmem:$0x10100] =	vst v63  }
0xb4: {  	v3 =	vld [tilespmem:$0xB0];
	_ =	sdelay $0x4  }
0xb5: {  	v63 =	vshll.u32 v3, $0x3  }
0xb6: {  	v3 =	vand.u32 $0x7, v3;
	v4 =	vand.u32 $0xFFFFFFC0, v63  }
0xb7: {  	v3 =	vor.u32 v3, v4  }
0xb8: {  	v4 =	vperm.xlane v3, v0;
	_ =	sdelay $0x1  }
0xb9: {  	v4 =	vadd.s32 v1, v4;
	_ =	sdelay $0x3  }
0xba: {  	s19 =	simm.s32 $0xC100  }
0xbb: {  	[tilespmem:s19], [sflag:$0x1] =	stream.indirect_vreg.gather [hbm4b:s1+s3], $0x80, v4, vm0, $0xb8;
	[tilespmem:$0x10100] =	vst v63  }
0xbc: {  	v3 =	vperm.xlane v3, v2;
	s19 =	simm.s32 $0xC900  }
0xbd: {  	[tilespmem:s19], [sflag:$0x1] =	stream.indirect_vreg.gather [hbm4b:s4+s3], $0x80, v4, vm0, $0xb8;
	[tilespmem:$0x10100] =	vst v63  }
0xbe: {  	v3 =	vadd.s32 v1, v3;
	s19 =	simm.s32 $0xD100  }
0xbf: {  	[tilespmem:s19], [sflag:$0x1] =	stream.indirect_vreg.gather [hbm4b:s5+s3], $0x80, v4, vm0, $0xb8;
	[tilespmem:$0x10100] =	vst v63  }
0xc0: {  	s19 =	simm.s32 $0xD900  }
0xc1: {  	[tilespmem:s19], [sflag:$0x1] =	stream.indirect_vreg.gather [hbm4b:s6+s3], $0x80, v4, vm0, $0xb8;
	[tilespmem:$0x10100] =	vst v63  }
0xc2: {  	s19 =	simm.s32 $0xE100  }
0xc3: {  	[tilespmem:s19], [sflag:$0x1] =	stream.indirect_vreg.gather [hbm4b:s1+s3], $0x80, v3, vm0, $0xb8;
	[tilespmem:$0x10100] =	vst v63  }
0xc4: {  	s19 =	simm.s32 $0xE900  }
0xc5: {  	[tilespmem:s19], [sflag:$0x1] =	stream.indirect_vreg.gather [hbm4b:s4+s3], $0x80, v3, vm0, $0xb8;
	[tilespmem:$0x10100] =	vst v63  }
0xc6: {  	s19 =	simm.s32 $0xF100  }
0xc7: {  	[tilespmem:s19], [sflag:$0x1] =	stream.indirect_vreg.gather [hbm4b:s5+s3], $0x80, v3, vm0, $0xb8;
	[tilespmem:$0x10100] =	vst v63  }
0xc8: {  	s19 =	simm.s32 $0xF900  }
0xc9: {  	[tilespmem:s19], [sflag:$0x1] =	stream.indirect_vreg.gather [hbm4b:s6+s3], $0x80, v3, vm0, $0xb8;
	[tilespmem:$0x10100] =	vst v63  }
0xca: {  	_ =	swait.ge [sflag:s18], $0x10000  }
0xcb: {  	p0 =	sne.s32 s7, $0x1;
	[sflag:s18] =	ssyncset.done $0x0  }
.Ltmp0:
0xcc: {  	s2 =	rddreg [dreg:$0x6];
	[sflag:s18] =	ssyncadd.s32 $0xFFFF0000;
	(pc) =	sbr.rel @p0 .LBB2_1-.Ltmp0, $4  }
0xcd: {  	[hbm4b:s2+s3] =	stream.linear.scatter [tilespmem:s0], [sflag:$0x2], $0x10000, $0x38;
	[tilespmem:$0x10100] =	vst v63  }
0xce: {  	_ =	swait.ge [sflag:s8], $0x10000  }
0xcf: {  	[sflag:s8] =	ssyncset.done $0x0  }
0xd0: {  	s7 =	sadd.s32 $0xFFFFFFFF, s7;
	[sflag:s8] =	ssyncadd.s32 $0xFFFF0000  }
0xd1: {  	_ =	sfence.sel $0x180000  }
0xd2: {  	[bflag:$0x0] =	sbarrier.arrive $0xFFFF  }
0xd3: {  	_ =	strace $0x90000047  }
0xd4: {  	s0 =	stileid.u32;
	[bflag:$0x2] =	sbarrier.arrive $0xFFFF  }
0xd5: {  	p0 =	sne.s32 s0, $0x0;
	s0 =	rddreg [dreg:$0x3]  }
0xd6: {  	s0 =	sadd.s32 @!p0 $0x100000, s0  }
0xd7: {  	[sflag:s0] =	ssyncadd.tile.s32 @!p0 $0x1;
	_ =	shalt  }
.Lfunc_end2:
_tile_overlayer_lowered:
.L_overlay_start_2:
0xd8: {  	(tag) =	ssettag $0x2  }
0xd9: {  	s0 =	rddreg [dreg:$0x0];
	s2 =	stileid.u32  }
0xda: {  	s1 =	rddreg [dreg:$0x1];
	p0 =	sne.s32 s2, $0x0  }
0xdb: {  	s3 =	rddreg [dreg:$0x2];
	[bflag:$0x3] =	sbarrier.arrive $0xFFFF;
	s2 =	simm.s32 @!p0 $0x1C02  }
0xdc: {  	[timem:s3], [sflag:s2] =	dma.local @!p0 [hbm:s0], s1  }
0xdd: {  	s0 =	simm.s32 @!p0 $0x2  }
0xde: {  	_ =	swait.ge @!p0 [sflag:s0], s1  }
0xdf: {  	s1 =	ssub.s32 @!p0 $0x0, s1;
	[sflag:s0] =	ssyncset.done @!p0 $0x0  }
0xe0: {  	[sflag:s0] =	ssyncadd.s32 @!p0 s1  }
0xe1: {  	[bflag:$0x3] =	sbarrier.arrive $0xFFFF  }
0xe2: {  	_ =	shalt  }

</sc_bundles>
